<compile_context>
chip_gen: v7x
topology: tpu7x:2x2x1
jax: 0.10.2.dev20260603
libtpu: 0.0.44.dev20260713+nightly
codegen_flags: <defaults>
</compile_context>

<pallas_src>
import jax
import jax.numpy as jnp
from jax import lax
from jax.experimental import pallas as pl

N = 16384
F = 26
V = 100000
D = 64
S = 768
K = F * D

_BN = 512


def _mm_body(e_ref, s_ref, w_ref, b_ref, o_ref):
    g = jnp.concatenate([e_ref[f] for f in range(F)], axis=1)
    acc = lax.dot_general(
        g, w_ref[...],
        (((1,), (1,)), ((), ())),
        preferred_element_type=jnp.float32,
    )
    o_ref[:, :S] = s_ref[...]
    o_ref[:, S:] = acc + b_ref[...]


def kernel(sentence_embeddings, categorical_data, tables, W, b):
    emb = jax.vmap(lambda t, i: jnp.take(t, i, axis=0))(
        tables, categorical_data)
    out = pl.pallas_call(
        _mm_body,
        grid=(N // _BN,),
        in_specs=[
            pl.BlockSpec((F, _BN, D), lambda i: (0, i, 0)),
            pl.BlockSpec((_BN, S), lambda i: (i, 0)),
            pl.BlockSpec((S, K), lambda i: (0, 0)),
            pl.BlockSpec((1, S), lambda i: (0, 0)),
        ],
        out_specs=pl.BlockSpec((_BN, 2 * S), lambda i: (i, 0)),
        out_shape=jax.ShapeDtypeStruct((N, 2 * S), jnp.float32),
    )(emb, sentence_embeddings, W, b.reshape(1, S))
    return out

# --- scband reference (transcript-rebuilt; emitter-appended) ---
"""Pipeline reference for scband-feature-aggregator-simple-16767552324254 (READ-ONLY COPY).

The authoritative reference and input builder live on the scoring server;
editing this copy changes nothing except your own understanding.
"""

import jax, jax.numpy as jnp
import numpy as np

N = 16384
F = 26
V = 100000
D = 64
S = 768

def setup_inputs(seed: int = 0) -> dict:
    key = jax.random.key(seed)
    k0, k1, k2, k3 = jax.random.split(key, 4)
    sentence_embeddings = jax.random.normal(k0, (N, S), dtype=jnp.float32)
    categorical_data = jax.random.randint(k1, (F, N), 0, V)
    # stacked embedding tables for the 26 categorical fields (xavier-ish init)
    tables = jax.random.normal(k2, (F, V, D), dtype=jnp.float32) * (np.sqrt(6.0 / (V + D)))
    # projection: Linear(F*D -> S), xavier uniform weight, zero bias
    lim = np.sqrt(6.0 / (F * D + S))
    W = jax.random.uniform(k3, (S, F * D), dtype=jnp.float32, minval=-lim, maxval=lim)
    b = jnp.zeros((S,), dtype=jnp.float32)
    return {"sentence_embeddings": sentence_embeddings, "categorical_data": categorical_data, "tables": tables, "W": W, "b": b}

def reference(sentence_embeddings, categorical_data, tables, W, b):
    # per-field embedding lookup: [F, N, D]
    emb = jax.vmap(lambda t, i: jnp.take(t, i, axis=0))(tables, categorical_data)
    # categorical_weights are all 1.0 by default
    emb = emb * 1.0
    # torch.cat(embedded_cats, dim=1): [N, F*D] in field order
    concatenated_cats = jnp.transpose(emb, (1, 0, 2)).reshape(N, F * D)
    projected_cats = concatenated_cats @ W.T + b
    final_features = jnp.concatenate([sentence_embeddings, projected_cats], axis=1)
    return final_features

if __name__ == "__main__":
    import jax
    _d = setup_inputs()
    print(jax.jit(kernel)(*tuple(_d.values())))

</pallas_src>

<mosaic_0001>
module attributes {stable_mosaic.version = 14 : i64} {
  func.func @_mm_body(%arg0: i32, %arg1: memref<26x512x64xf32, #tpu.memory_space<vmem>>, %arg2: memref<512x768xf32, #tpu.memory_space<vmem>>, %arg3: memref<768x1664xf32, #tpu.memory_space<vmem>>, %arg4: memref<1x768xf32, #tpu.memory_space<vmem>>, %arg5: memref<512x1536xf32, #tpu.memory_space<vmem>>) attributes {dimension_semantics = [#tpu.dimension_semantics<arbitrary>], iteration_bounds = array<i64: 32>, scalar_prefetch = 0 : i64, scratch_operands = 0 : i64, tpu.core_type = #tpu.core_type<tc>, window_params = [{transform_indices = @transform_0, window_bounds = array<i64: 26, 512, 64>}, {transform_indices = @transform_1, window_bounds = array<i64: 512, 768>}, {pipeline_mode = #tpu.pipeline_mode<synchronous>, transform_indices = @transform_2, window_bounds = array<i64: 768, 1664>}, {pipeline_mode = #tpu.pipeline_mode<synchronous>, transform_indices = @transform_3, window_bounds = array<i64: 1, 768>}, {transform_indices = @transform_4, window_bounds = array<i64: 512, 1536>}]} {
    %get3A = arith.constant 0 : index
    %get3A_0 = arith.constant 0 : index
    %get3A_1 = arith.constant 0 : index
    %get3A_2 = vector.load %arg1[%get3A, %get3A_0, %get3A_1] : memref<26x512x64xf32, #tpu.memory_space<vmem>>, vector<1x512x64xf32>
    %get3A_3 = vector.shape_cast %get3A_2 : vector<1x512x64xf32> to vector<512x64xf32>
    %get3A_4 = arith.constant 1 : index
    %get3A_5 = arith.constant 0 : index
    %get3A_6 = arith.constant 0 : index
    %get3A_7 = vector.load %arg1[%get3A_4, %get3A_5, %get3A_6] : memref<26x512x64xf32, #tpu.memory_space<vmem>>, vector<1x512x64xf32>
    %get3A_8 = vector.shape_cast %get3A_7 : vector<1x512x64xf32> to vector<512x64xf32>
    %get3A_9 = arith.constant 2 : index
    %get3A_10 = arith.constant 0 : index
    %get3A_11 = arith.constant 0 : index
    %get3A_12 = vector.load %arg1[%get3A_9, %get3A_10, %get3A_11] : memref<26x512x64xf32, #tpu.memory_space<vmem>>, vector<1x512x64xf32>
    %get3A_13 = vector.shape_cast %get3A_12 : vector<1x512x64xf32> to vector<512x64xf32>
    %get3A_14 = arith.constant 3 : index
    %get3A_15 = arith.constant 0 : index
    %get3A_16 = arith.constant 0 : index
    %get3A_17 = vector.load %arg1[%get3A_14, %get3A_15, %get3A_16] : memref<26x512x64xf32, #tpu.memory_space<vmem>>, vector<1x512x64xf32>
    %get3A_18 = vector.shape_cast %get3A_17 : vector<1x512x64xf32> to vector<512x64xf32>
    %get3A_19 = arith.constant 4 : index
    %get3A_20 = arith.constant 0 : index
    %get3A_21 = arith.constant 0 : index
    %get3A_22 = vector.load %arg1[%get3A_19, %get3A_20, %get3A_21] : memref<26x512x64xf32, #tpu.memory_space<vmem>>, vector<1x512x64xf32>
    %get3A_23 = vector.shape_cast %get3A_22 : vector<1x512x64xf32> to vector<512x64xf32>
    %get3A_24 = arith.constant 5 : index
    %get3A_25 = arith.constant 0 : index
    %get3A_26 = arith.constant 0 : index
    %get3A_27 = vector.load %arg1[%get3A_24, %get3A_25, %get3A_26] : memref<26x512x64xf32, #tpu.memory_space<vmem>>, vector<1x512x64xf32>
    %get3A_28 = vector.shape_cast %get3A_27 : vector<1x512x64xf32> to vector<512x64xf32>
    %get3A_29 = arith.constant 6 : index
    %get3A_30 = arith.constant 0 : index
    %get3A_31 = arith.constant 0 : index
    %get3A_32 = vector.load %arg1[%get3A_29, %get3A_30, %get3A_31] : memref<26x512x64xf32, #tpu.memory_space<vmem>>, vector<1x512x64xf32>
    %get3A_33 = vector.shape_cast %get3A_32 : vector<1x512x64xf32> to vector<512x64xf32>
    %get3A_34 = arith.constant 7 : index
    %get3A_35 = arith.constant 0 : index
    %get3A_36 = arith.constant 0 : index
    %get3A_37 = vector.load %arg1[%get3A_34, %get3A_35, %get3A_36] : memref<26x512x64xf32, #tpu.memory_space<vmem>>, vector<1x512x64xf32>
    %get3A_38 = vector.shape_cast %get3A_37 : vector<1x512x64xf32> to vector<512x64xf32>
    %get3A_39 = arith.constant 8 : index
    %get3A_40 = arith.constant 0 : index
    %get3A_41 = arith.constant 0 : index
    %get3A_42 = vector.load %arg1[%get3A_39, %get3A_40, %get3A_41] : memref<26x512x64xf32, #tpu.memory_space<vmem>>, vector<1x512x64xf32>
    %get3A_43 = vector.shape_cast %get3A_42 : vector<1x512x64xf32> to vector<512x64xf32>
    %get3A_44 = arith.constant 9 : index
    %get3A_45 = arith.constant 0 : index
    %get3A_46 = arith.constant 0 : index
    %get3A_47 = vector.load %arg1[%get3A_44, %get3A_45, %get3A_46] : memref<26x512x64xf32, #tpu.memory_space<vmem>>, vector<1x512x64xf32>
    %get3A_48 = vector.shape_cast %get3A_47 : vector<1x512x64xf32> to vector<512x64xf32>
    %get3A_49 = arith.constant 10 : index
    %get3A_50 = arith.constant 0 : index
    %get3A_51 = arith.constant 0 : index
    %get3A_52 = vector.load %arg1[%get3A_49, %get3A_50, %get3A_51] : memref<26x512x64xf32, #tpu.memory_space<vmem>>, vector<1x512x64xf32>
    %get3A_53 = vector.shape_cast %get3A_52 : vector<1x512x64xf32> to vector<512x64xf32>
    %get3A_54 = arith.constant 11 : index
    %get3A_55 = arith.constant 0 : index
    %get3A_56 = arith.constant 0 : index
    %get3A_57 = vector.load %arg1[%get3A_54, %get3A_55, %get3A_56] : memref<26x512x64xf32, #tpu.memory_space<vmem>>, vector<1x512x64xf32>
    %get3A_58 = vector.shape_cast %get3A_57 : vector<1x512x64xf32> to vector<512x64xf32>
    %get3A_59 = arith.constant 12 : index
    %get3A_60 = arith.constant 0 : index
    %get3A_61 = arith.constant 0 : index
    %get3A_62 = vector.load %arg1[%get3A_59, %get3A_60, %get3A_61] : memref<26x512x64xf32, #tpu.memory_space<vmem>>, vector<1x512x64xf32>
    %get3A_63 = vector.shape_cast %get3A_62 : vector<1x512x64xf32> to vector<512x64xf32>
    %get3A_64 = arith.constant 13 : index
    %get3A_65 = arith.constant 0 : index
    %get3A_66 = arith.constant 0 : index
    %get3A_67 = vector.load %arg1[%get3A_64, %get3A_65, %get3A_66] : memref<26x512x64xf32, #tpu.memory_space<vmem>>, vector<1x512x64xf32>
    %get3A_68 = vector.shape_cast %get3A_67 : vector<1x512x64xf32> to vector<512x64xf32>
    %get3A_69 = arith.constant 14 : index
    %get3A_70 = arith.constant 0 : index
    %get3A_71 = arith.constant 0 : index
    %get3A_72 = vector.load %arg1[%get3A_69, %get3A_70, %get3A_71] : memref<26x512x64xf32, #tpu.memory_space<vmem>>, vector<1x512x64xf32>
    %get3A_73 = vector.shape_cast %get3A_72 : vector<1x512x64xf32> to vector<512x64xf32>
    %get3A_74 = arith.constant 15 : index
    %get3A_75 = arith.constant 0 : index
    %get3A_76 = arith.constant 0 : index
    %get3A_77 = vector.load %arg1[%get3A_74, %get3A_75, %get3A_76] : memref<26x512x64xf32, #tpu.memory_space<vmem>>, vector<1x512x64xf32>
    %get3A_78 = vector.shape_cast %get3A_77 : vector<1x512x64xf32> to vector<512x64xf32>
    %get3A_79 = arith.constant 16 : index
    %get3A_80 = arith.constant 0 : index
    %get3A_81 = arith.constant 0 : index
    %get3A_82 = vector.load %arg1[%get3A_79, %get3A_80, %get3A_81] : memref<26x512x64xf32, #tpu.memory_space<vmem>>, vector<1x512x64xf32>
    %get3A_83 = vector.shape_cast %get3A_82 : vector<1x512x64xf32> to vector<512x64xf32>
    %get3A_84 = arith.constant 17 : index
    %get3A_85 = arith.constant 0 : index
    %get3A_86 = arith.constant 0 : index
    %get3A_87 = vector.load %arg1[%get3A_84, %get3A_85, %get3A_86] : memref<26x512x64xf32, #tpu.memory_space<vmem>>, vector<1x512x64xf32>
    %get3A_88 = vector.shape_cast %get3A_87 : vector<1x512x64xf32> to vector<512x64xf32>
    %get3A_89 = arith.constant 18 : index
    %get3A_90 = arith.constant 0 : index
    %get3A_91 = arith.constant 0 : index
    %get3A_92 = vector.load %arg1[%get3A_89, %get3A_90, %get3A_91] : memref<26x512x64xf32, #tpu.memory_space<vmem>>, vector<1x512x64xf32>
    %get3A_93 = vector.shape_cast %get3A_92 : vector<1x512x64xf32> to vector<512x64xf32>
    %get3A_94 = arith.constant 19 : index
    %get3A_95 = arith.constant 0 : index
    %get3A_96 = arith.constant 0 : index
    %get3A_97 = vector.load %arg1[%get3A_94, %get3A_95, %get3A_96] : memref<26x512x64xf32, #tpu.memory_space<vmem>>, vector<1x512x64xf32>
    %get3A_98 = vector.shape_cast %get3A_97 : vector<1x512x64xf32> to vector<512x64xf32>
    %get3A_99 = arith.constant 20 : index
    %get3A_100 = arith.constant 0 : index
    %get3A_101 = arith.constant 0 : index
    %get3A_102 = vector.load %arg1[%get3A_99, %get3A_100, %get3A_101] : memref<26x512x64xf32, #tpu.memory_space<vmem>>, vector<1x512x64xf32>
    %get3A_103 = vector.shape_cast %get3A_102 : vector<1x512x64xf32> to vector<512x64xf32>
    %get3A_104 = arith.constant 21 : index
    %get3A_105 = arith.constant 0 : index
    %get3A_106 = arith.constant 0 : index
    %get3A_107 = vector.load %arg1[%get3A_104, %get3A_105, %get3A_106] : memref<26x512x64xf32, #tpu.memory_space<vmem>>, vector<1x512x64xf32>
    %get3A_108 = vector.shape_cast %get3A_107 : vector<1x512x64xf32> to vector<512x64xf32>
    %get3A_109 = arith.constant 22 : index
    %get3A_110 = arith.constant 0 : index
    %get3A_111 = arith.constant 0 : index
    %get3A_112 = vector.load %arg1[%get3A_109, %get3A_110, %get3A_111] : memref<26x512x64xf32, #tpu.memory_space<vmem>>, vector<1x512x64xf32>
    %get3A_113 = vector.shape_cast %get3A_112 : vector<1x512x64xf32> to vector<512x64xf32>
    %get3A_114 = arith.constant 23 : index
    %get3A_115 = arith.constant 0 : index
    %get3A_116 = arith.constant 0 : index
    %get3A_117 = vector.load %arg1[%get3A_114, %get3A_115, %get3A_116] : memref<26x512x64xf32, #tpu.memory_space<vmem>>, vector<1x512x64xf32>
    %get3A_118 = vector.shape_cast %get3A_117 : vector<1x512x64xf32> to vector<512x64xf32>
    %get3A_119 = arith.constant 24 : index
    %get3A_120 = arith.constant 0 : index
    %get3A_121 = arith.constant 0 : index
    %get3A_122 = vector.load %arg1[%get3A_119, %get3A_120, %get3A_121] : memref<26x512x64xf32, #tpu.memory_space<vmem>>, vector<1x512x64xf32>
    %get3A_123 = vector.shape_cast %get3A_122 : vector<1x512x64xf32> to vector<512x64xf32>
    %get3A_124 = arith.constant 25 : index
    %get3A_125 = arith.constant 0 : index
    %get3A_126 = arith.constant 0 : index
    %get3A_127 = vector.load %arg1[%get3A_124, %get3A_125, %get3A_126] : memref<26x512x64xf32, #tpu.memory_space<vmem>>, vector<1x512x64xf32>
    %get3A_128 = vector.shape_cast %get3A_127 : vector<1x512x64xf32> to vector<512x64xf32>
    %concatenate3A = tpu.concatenate %get3A_3, %get3A_8, %get3A_13, %get3A_18, %get3A_23, %get3A_28, %get3A_33, %get3A_38, %get3A_43, %get3A_48, %get3A_53, %get3A_58, %get3A_63, %get3A_68, %get3A_73, %get3A_78, %get3A_83, %get3A_88, %get3A_93, %get3A_98, %get3A_103, %get3A_108, %get3A_113, %get3A_118, %get3A_123, %get3A_128 in 1 : vector<512x64xf32>, vector<512x64xf32>, vector<512x64xf32>, vector<512x64xf32>, vector<512x64xf32>, vector<512x64xf32>, vector<512x64xf32>, vector<512x64xf32>, vector<512x64xf32>, vector<512x64xf32>, vector<512x64xf32>, vector<512x64xf32>, vector<512x64xf32>, vector<512x64xf32>, vector<512x64xf32>, vector<512x64xf32>, vector<512x64xf32>, vector<512x64xf32>, vector<512x64xf32>, vector<512x64xf32>, vector<512x64xf32>, vector<512x64xf32>, vector<512x64xf32>, vector<512x64xf32>, vector<512x64xf32>, vector<512x64xf32> -> vector<512x1664xf32>
    %get3A_129 = arith.constant 0 : index
    %get3A_130 = arith.constant 0 : index
    %get3A_131 = vector.load %arg3[%get3A_129, %get3A_130] : memref<768x1664xf32, #tpu.memory_space<vmem>>, vector<768x1664xf32>
    %dot_general3A = arith.constant dense<0.000000e+00> : vector<512x768xf32>
    %dot_general3A_132 = tpu.matmul %concatenate3A, %get3A_131, %dot_general3A {dimension_numbers = #tpu.dot_dimension_numbers<[1], [1], [0], [0], [0, 0, 1, 0], [], []>, transpose_lhs_hint = false} : vector<512x1664xf32>, vector<768x1664xf32>, vector<512x768xf32> -> vector<512x768xf32>
    %get3A_133 = arith.constant 0 : index
    %get3A_134 = arith.constant 0 : index
    %get3A_135 = vector.load %arg2[%get3A_133, %get3A_134] : memref<512x768xf32, #tpu.memory_space<vmem>>, vector<512x768xf32>
    %swap3A = arith.constant 0 : index
    %swap3A_136 = arith.constant 0 : index
    %swap3A_137 = vector.load %arg5[%swap3A, %swap3A_136] : memref<512x1536xf32, #tpu.memory_space<vmem>>, vector<512x768xf32>
    tpu.vector_store %arg5[%swap3A, %swap3A_136], %get3A_135 {strides = array<i32>} : memref<512x1536xf32, #tpu.memory_space<vmem>>, vector<512x768xf32>,
    %get3A_138 = arith.constant 0 : index
    %get3A_139 = arith.constant 0 : index
    %get3A_140 = vector.load %arg4[%get3A_138, %get3A_139] : memref<1x768xf32, #tpu.memory_space<vmem>>, vector<1x768xf32>
    %add3A = vector.broadcast %get3A_140 : vector<1x768xf32> to vector<512x768xf32>
    %add3A_141 = arith.addf %dot_general3A_132, %add3A : vector<512x768xf32>
    %swap3A_142 = arith.constant 0 : index
    %swap3A_143 = arith.constant 768 : index
    %swap3A_144 = vector.load %arg5[%swap3A_142, %swap3A_143] : memref<512x1536xf32, #tpu.memory_space<vmem>>, vector<512x768xf32>
    tpu.vector_store %arg5[%swap3A_142, %swap3A_143], %add3A_141 {strides = array<i32>} : memref<512x1536xf32, #tpu.memory_space<vmem>>, vector<512x768xf32>,
    return
  }
  func.func @transform_0(%arg0: i32) -> (i32, i32, i32) {
    %c0_i32 = arith.constant 0 : i32
    %c0_i32_0 = arith.constant 0 : i32
    %c0_i32_1 = arith.constant 0 : i32
    return %c0_i32, %arg0, %c0_i32_0 : i32, i32, i32
  }
  func.func @transform_1(%arg0: i32) -> (i32, i32) {
    %c0_i32 = arith.constant 0 : i32
    %c0_i32_0 = arith.constant 0 : i32
    return %arg0, %c0_i32 : i32, i32
  }
  func.func @transform_2(%arg0: i32) -> (i32, i32) {
    %c0_i32 = arith.constant 0 : i32
    %c0_i32_0 = arith.constant 0 : i32
    %c0_i32_1 = arith.constant 0 : i32
    return %c0_i32, %c0_i32_0 : i32, i32
  }
  func.func @transform_3(%arg0: i32) -> (i32, i32) {
    %c0_i32 = arith.constant 0 : i32
    %c0_i32_0 = arith.constant 0 : i32
    %c0_i32_1 = arith.constant 0 : i32
    return %c0_i32, %c0_i32_0 : i32, i32
  }
  func.func @transform_4(%arg0: i32) -> (i32, i32) {
    %c0_i32 = arith.constant 0 : i32
    %c0_i32_0 = arith.constant 0 : i32
    return %arg0, %c0_i32 : i32, i32
  }
}

</mosaic_0001>

<sc_bundles>
// kernel: gather_offload_async_start
scs
__scs_entry_jumppad:
0x0: {  	(pc) =	sbr.rel $0x88, $3  }
0x1: {  	(tag) =	ssettag $0x0;
	lr =	simm.s32 $0x1  }
0x2: {  	[smem:$0x3F9C] =	sst lr;
	_ =	strace $0xD0000000  }
0x3: {  	_ = 	snop  }
0x4: {  	_ = 	snop  }
0x5: {  	_ = 	snop  }
0x6: {  	_ = 	snop  }
0x7: {  	_ = 	snop  }
__scs_overlays_trampoline_lowered:
0x8: {  	[smem:$0x3FAB] =	sst s0  }
0x9: {  	[smem:$0x3FAC] =	sst s1  }
0xa: {  	[smem:$0x3FAD] =	sst s2  }
0xb: {  	[smem:$0x3FAE] =	sst s3  }
0xc: {  	[smem:$0x3FAF] =	sst s4  }
0xd: {  	[smem:$0x3FB0] =	sst s5  }
0xe: {  	[smem:$0x3FB1] =	sst s6  }
0xf: {  	[smem:$0x3FB2] =	sst s7  }
0x10: {  	[smem:$0x3FB3] =	sst s8  }
0x11: {  	[smem:$0x3FB4] =	sst s9;
	s0 =	simm.s32 @!p0 $0x0  }
0x12: {  	s1 =	sld [smem:$0x3F9A];
	s0 =	simm.s32 @p0 $0x1  }
0x13: {  	[smem:$0x3FB5] =	sst s0;
	s0 =	simm.s32 @!p1 $0x0  }
0x14: {  	s2 =	sld [smem:$0x3F99];
	s0 =	simm.s32 @p1 $0x1  }
0x15: {  	[smem:$0x3FB6] =	sst s0;
	s0 =	simm.s32 @!p2 $0x0  }
0x16: {  	s3 =	sld [smem:$0x3FDB];
	s0 =	simm.s32 @p2 $0x1  }
0x17: {  	s4 =	simm.s32 $0x1BF5;
	[smem:$0x3FB8] =	sst s0  }
0x18: {  	s0 =	sld [smem:$0x3F9B];
	_ =	swait.ge [sflag:s4], $0x0  }
0x19: {  	s7 =	sld [smem:$0x3F9C]  }
0x1a: {  	s8 =	sadd.s32 $0xFFFFE003, lr  }
0x1b: {  	s9 =	sadd.s32 $0xFFFFFEF7, lr;
	s5 =	simm.s32 $0xFFFFFFFF;
	p2 =	slt.u32 s8, $0xFFFFF086  }
0x1c: {  	p1 =	slt.u32 s9, $0xF7A;
	s5 =	simm.s32 @!p2 $0x0  }
0x1d: {  	s5 =	simm.s32 @p1 $0x1;
	p0 =	seq.s32 s7, s2  }
0x1e: {  	s7 =	smul.u32 @!p0 $0xF7A, s2;
	p2 =	seq.s32 @!p0 s5, $0x0  }
0x1f: {  	s9 =	smul.u32 $0xF7A, s1;
	s8 =	simm.s32 @!p0 $0x1BF5;
	p2 =	por !p2, p0  }
0x20: {  	[sflag:s8] =	ssyncset.s32 @!p0 $0xFFFFF086;
	s6 =	sadd.s32 @!p0 s3, s7;
	s7 =	simm.s32 @!p0 $0x108  }
0x21: {  	s3 =	sadd.s32 s3, s9;
	s6 =	sadd.s32 @!p0 $0x88, s6;
	s7 =	simm.s32 @p2 $0x1082  }
0x22: {  	[simem:s7], [sflag:s8] =	dma.local @!p0 [hbm:s6], $0xF7A  }
0x23: {  	s9 =	sor.u32 $0xD0000000, s2;
	s6 =	simm.s32 $0x108;
	_ =	swait.ge @!p0 [sflag:s8], $0x0  }
0x24: {  	s3 =	sadd.s32 $0x88, s3;
	s6 =	simm.s32 @!p1 $0x1082;
	[sflag:s4] =	ssyncset.s32 $0xFFFFF086  }
0x25: {  	[simem:s6], [sflag:s4] =	dma.local [hbm:s3], $0xF7A  }
0x26: {  	[smem:$0x3F9C] =	sst s1;
	(tag) =	ssettag s2;
	_ =	strace s9  }
0x27: {  	s1 =	sld [smem:$0x3FAC]  }
0x28: {  	s2 =	sld [smem:$0x3FAD]  }
0x29: {  	s4 =	sld [smem:$0x3FAF]  }
0x2a: {  	p0 =	seq.s32 s5, $0x0;
	s5 =	sld [smem:$0x3FB0]  }
0x2b: {  	s6 =	sld [smem:$0x3FB1]  }
0x2c: {  	s7 =	sld [smem:$0x3FB2]  }
0x2d: {  	s3 =	simm.s32 $0x108;
	s8 =	sld [smem:$0x3FB3]  }
0x2e: {  	s3 =	simm.s32 @!p0 $0x1082;
	s9 =	sld [smem:$0x3FB4]  }
0x2f: {  	lr =	sadd.s32 s0, s3;
	s0 =	sld [smem:$0x3FAB]  }
0x30: {  	s3 =	sld [smem:$0x3FAE]  }
0x31: {  	[smem:$0x3FB7] =	sst s10  }
0x32: {  	s10 =	sld [smem:$0x3FB5];
	_ =	sdelay $0x3  }
0x33: {  	p0 =	seq.s32 s10, $0x1;
	s10 =	sld [smem:$0x3FB7];
	_ =	sdelay $0x3  }
0x34: {  	[smem:$0x3FB7] =	sst s10  }
0x35: {  	s10 =	sld [smem:$0x3FB6];
	_ =	sdelay $0x3  }
0x36: {  	p1 =	seq.s32 s10, $0x1;
	s10 =	sld [smem:$0x3FB7];
	_ =	sdelay $0x3  }
0x37: {  	[smem:$0x3FB7] =	sst s10  }
0x38: {  	s10 =	sld [smem:$0x3FB8]  }
0x39: {  	_ = 	snop;
	(pc) =	sbr.ind lr, $3  }
0x3a: {  	_ = 	snop  }
0x3b: {  	_ = 	snop  }
0x3c: {  	p2 =	seq.s32 s10, $0x1;
	s10 =	sld [smem:$0x3FB7]  }
0x3d: {  	_ =	shalt  }
0x3e: {  	_ =	shalt  }
0x3f: {  	_ =	shalt  }
0x40: {  	_ =	shalt  }
0x41: {  	_ =	shalt  }
0x42: {  	_ =	shalt  }
0x43: {  	_ =	shalt  }
0x44: {  	_ =	shalt  }
0x45: {  	_ =	shalt  }
0x46: {  	_ =	shalt  }
0x47: {  	_ =	shalt  }
0x48: {  	_ =	shalt  }
0x49: {  	_ =	shalt  }
0x4a: {  	_ =	shalt  }
0x4b: {  	_ =	shalt  }
0x4c: {  	_ =	shalt  }
0x4d: {  	_ =	shalt  }
0x4e: {  	_ =	shalt  }
0x4f: {  	_ =	shalt  }
0x50: {  	_ =	shalt  }
0x51: {  	_ =	shalt  }
0x52: {  	_ =	shalt  }
0x53: {  	_ =	shalt  }
0x54: {  	_ =	shalt  }
0x55: {  	_ =	shalt  }
0x56: {  	_ =	shalt  }
0x57: {  	_ =	shalt  }
0x58: {  	_ =	shalt  }
0x59: {  	_ =	shalt  }
0x5a: {  	_ =	shalt  }
0x5b: {  	_ =	shalt  }
0x5c: {  	_ =	shalt  }
0x5d: {  	_ =	shalt  }
0x5e: {  	_ =	shalt  }
0x5f: {  	_ =	shalt  }
0x60: {  	_ =	shalt  }
0x61: {  	_ =	shalt  }
0x62: {  	_ =	shalt  }
0x63: {  	_ =	shalt  }
0x64: {  	_ =	shalt  }
0x65: {  	_ =	shalt  }
0x66: {  	_ =	shalt  }
0x67: {  	_ =	shalt  }
0x68: {  	_ =	shalt  }
0x69: {  	_ =	shalt  }
0x6a: {  	_ =	shalt  }
0x6b: {  	_ =	shalt  }
0x6c: {  	_ =	shalt  }
0x6d: {  	_ =	shalt  }
0x6e: {  	_ =	shalt  }
0x6f: {  	_ =	shalt  }
0x70: {  	_ =	shalt  }
0x71: {  	_ =	shalt  }
0x72: {  	_ =	shalt  }
0x73: {  	_ =	shalt  }
0x74: {  	_ =	shalt  }
0x75: {  	_ =	shalt  }
0x76: {  	_ =	shalt  }
0x77: {  	_ =	shalt  }
0x78: {  	_ =	shalt  }
0x79: {  	_ =	shalt  }
0x7a: {  	_ =	shalt  }
0x7b: {  	_ =	shalt  }
0x7c: {  	_ =	shalt  }
0x7d: {  	_ =	shalt  }
0x7e: {  	_ =	shalt  }
0x7f: {  	_ =	shalt  }
0x80: {  	_ =	shalt  }
0x81: {  	_ =	shalt  }
0x82: {  	_ =	shalt  }
0x83: {  	_ =	shalt  }
0x84: {  	_ =	shalt  }
0x85: {  	_ =	shalt  }
0x86: {  	_ =	shalt  }
0x87: {  	_ =	shalt  }
.Lfunc_end0:
.L_simem_size_0:
called_computation_lowered:
.L_overlay_start_0:
0x88: {  	s2 =	sld [smem:$0x3FD9]  }
0x89: {  	s3 =	sld [smem:$0x3FFE];
	_ =	sdelay $0x1  }
0x8a: {  	s1 =	srdreg.scid  }
0x8b: {  	s0 =	sand.u32 $0x1, s1  }
0x8c: {  	s17 =	sshll.u32 s0, $0xA;
	s2 =	sadd.s32 s3, s2  }
0x8d: {  	s2 =	sadd.s32 s2, s17  }
0x8e: {  	[smem:$0x3FC3] =	sst s2  }
0x8f: {  	_ = 	snop  }
0x90: {  	s2 =	sld [smem:$0x3FD0];
	(tm) =	ssettm $0x1  }
0x91: {  	s18 =	sld [smem:$0x3FFB];
	_ =	sdelay $0x3  }
0x92: {  	_ =	strace s18  }
0x93: {  	s3 =	sld [smem:$0x3FFC];
	_ =	sdelay $0x3  }
0x94: {  	_ =	strace s3  }
0x95: {  	s3 =	sld [smem:$0x3FFD];
	_ =	sdelay $0x3  }
0x96: {  	_ =	strace s3  }
0x97: {  	_ =	strace $0x8FFFFFFF  }
0x98: {  	s19 =	sld [smem:$0x3FDB];
	_ =	sdelay $0x1  }
0x99: {  	s4 =	simm.s32 $_scs_section_size  }
0x9a: {  	s5 =	simm.s32 $_size__tile_overlayer_lowered;
	s6 =	simm.s32 $_tile_overlayer_lowered  }
0x9b: {  	s22 =	simm.s32 $0x1BFF;
	s21 =	sshll.u32 s6, $0x1;
	s3 =	sadd.s32 s4, s19  }
0x9c: {  	s7 =	simm.s32 $0x0;
	s20 =	sshll.u32 s5, $0x1;
	s5 =	sadd.s32 s21, s3  }
0x9d: {  	[timem:s7], [sflag:s22] =	dma.local [hbm:s5], s20  }
0x9e: {  	_ =	swait.ge [sflag:s22], s20  }
0x9f: {  	s4 =	ssub.s32 $0x0, s20;
	[sflag:s22] =	ssyncset.done $0x0  }
0xa0: {  	[sflag:s22] =	ssyncadd.s32 s4;
	_ =	sdelay $0x1  }
0xa1: {  	s23 =	simm.s32 $0x1B8B  }
0xa2: {  	_ =	swait.ge [sflag:s23], $0x1  }
0xa3: {  	[sflag:s23] =	ssyncset.done $0x0  }
0xa4: {  	s25 =	simm.s32 $0x1B8E;
	s24 =	sld [smem:$0x3FFE];
	[sflag:s23] =	ssyncadd.s32 $0xFFFFFFFF  }
0xa5: {  	s26 =	simm.s32 $execute0_lowered;
	[smem:$0x3FD2] =	sst s25  }
0xa6: {  	s5 =	sshll.u32 s26, $0x1;
	_ =	strace $0x80000046;
	[dreg:$0x1] =	wrdreg $0xFFFFFFFF  }
0xa7: {  	s28 =	simm.s32 $_size_execute0_lowered;
	s3 =	sadd.s32 s3, s5;
	[dreg:$0x0] =	wrdreg $0x0  }
0xa8: {  	s5 =	sshll.u32 s28, $0x1;
	[dreg:$0x2] =	wrdreg s3  }
0xa9: {  	[dreg:$0x3] =	wrdreg s5  }
0xaa: {  	[dreg:$0x4] =	wrdreg $0xC0  }
0xab: {  	_ =	task [dreg:s7], $0x5FFFF  }
0xac: {  	[dreg:$0x1] =	wrdreg $0xFFFFFFFF  }
0xad: {  	[dreg:$0x0] =	wrdreg $0x60  }
0xae: {  	[dreg:$0x2] =	wrdreg s24  }
0xaf: {  	[dreg:$0x3] =	wrdreg s2  }
0xb0: {  	[dreg:$0x4] =	wrdreg $0x9  }
0xb1: {  	_ =	task.clear_ibuf [dreg:s7], $0x5FFFF;
	_ =	strace $0x90000046  }
0xb2: {  	s29 =	simm.s32 $0x9;
	_ =	strace $0x80000048  }
0xb3: {  	_ =	swait.ge [sflag:s29], $0x1  }
0xb4: {  	[sflag:s29] =	ssyncadd.s32 $0xFFFFFFFF  }
0xb5: {  	_ =	strace $0x90000048  }
0xb6: {  	_ =	sfence  }
0xb7: {  	s30 =	sld [smem:$0x0];
	_ =	sdelay $0x2  }
0xb8: {  	s31 =	sshll.u32 s1, $0xD;
	s1 =	sshrl.u32 s1, $0x2  }
0xb9: {  	s3 =	sand.u32 $0x4000, s31;
	s1 =	sadd.s32 s1, s30  }
0xba: {  	s0 =	sor.u32 s3, s0;
	s1 =	sshll.u32 s1, $0x11  }
0xbb: {  	s0 =	sor.u32 s1, s0  }
0xbc: {  	s0 =	sadd.s32 $0x8F2B, s0  }
0xbd: {  	[sflag:s0] =	ssyncadd.remote.s32 $0x1  }
0xbe: {  	_ =	sfence.sel $0xFFFF  }
0xbf: {  	[dreg:$0x0] =	wrdreg $0xFFFFFFFF;
	(pc) =	sbr.abs _section_cstart, $3  }
0xc0: {  	[dreg:$0x1] =	wrdreg $0xFFFFFFFF  }
0xc1: {  	_ =	task.clear_ibuf [dreg:s7], $0x2FFFF;
	_ =	strace $0x9FFFFFFF  }
0xc2: {  	(tm) =	ssettm $0x7FFFFFFF  }
0xc3: {  	_ =	shalt  }
tec
execute0_lowered:
.L_overlay_start_1:
0x0: {  	(tag) =	ssettag $0x1  }
0x1: {  	s7 =	rddreg [dreg:$0x0]  }
0x2: {  	s0 =	srdreg.scid;
	s2 =	rddreg [dreg:$0x1]  }
0x3: {  	s1 =	stileid.u32;
	s5 =	simm.s32 $0x2;
	s9 =	simm.s32 $0x3  }
0x4: {  	s3 =	sshll.u32 s0, $0x4;
	s0 =	rddreg [dreg:$0x2];
	_ =	strace $0x80000047  }
.Ltmp0:
0x5: {  	s4 =	sand.u32 $0x10, s3;
	s3 =	simm.s32 $0x1;
	(pc) =	sbr.rel .LBB2_1-.Ltmp0, $4  }
0x6: {  	s11 =	simm.s32 $0x0;
	s4 =	sor.u32 s1, s4;
	[sflag:s3] =	ssyncpa.u1 $0x0  }
0x7: {  	p0 =	por $0x0, $0x0;
	s4 =	smul.u32 $0x3400, s4;
	[sflag:s5] =	ssyncpa.u1 $0x0  }
0x8: {  	s6 =	sadd.s32 $0xC00, s7;
	s7 =	sadd.s32 $0x27AD000, s7;
	[sflag:s9] =	ssyncpa.u1 $0x0  }
0x9: {  	vm0 =	vmmov $0xff;
	vm1 =	vcmask $0x3F20;
	s9 =	simm.s32 $0x0;
	s8 =	sadd.s32 $0x3400, s4;
	s10 =	smov.u32 s4  }
.LBB2_6:
0xa: {  	[hbm:s15] =	stream.linear.scatter [tilespmem:s12], [sflag:$0x3], $0x400, $0x38;
	[tilespmem:$0x1A340] =	vst v63  }
.LBB2_7:
0xb: {  	p1 =	slt.u32 s9, $0x2;
	s11 =	sadd.s32 $0x1A0, s10  }
0xc: {  	s13 =	smov.u32 s4;
	s9 =	sadd.s32 $0x1, s9;
	p2 =	slt.s32 s11, s8  }
0xd: {  	s13 =	smov.u32 @p2 s11;
	p2 =	sne.s32 s9, $0x22  }
.Ltmp1:
0xe: {  	_ = 	snop;
	(pc) =	sbr.rel @!p2 .LBB2_8-.Ltmp1, $4  }
0xf: {  	s12 =	simm.s32 @!p1 $0x3  }
0x10: {  	_ =	swait.ge @!p1 [sflag:s12], $0xD000  }
0x11: {  	p0 =	por !p0, !p0;
	[sflag:s12] =	ssyncset.done @!p1 $0x0  }
0x12: {  	s11 =	smov.u32 s10;
	s10 =	smov.u32 s13;
	[sflag:s12] =	ssyncadd.s32 @!p1 $0xFFFF3000  }
.LBB2_1:
0x13: {  	p1 =	sgt.u32 s9, $0x1F  }
0x14: {  	s12 =	sxor.u32 @!p1 $0xFFFFFFFF, s9  }
0x15: {  	s12 =	sand.u32 @!p1 $0x1, s12  }
0x16: {  	s12 =	smul.u32 @!p1 $0x680, s12  }
0x17: {  	s31 =	sadd.s32 $0xFFFFFFFF, s9;
	s13 =	sshrl.u32 @!p1 s10, $0x3  }
0x18: {  	s14 =	sand.u32 @!p1 $0x7, s10;
	s13 =	sadd.s32 @!p1 s2, s13;
	s12 =	sshrl.u32 @!p1 s12, $0x2  }
0x19: {  	[tilespmem:s12], [sflag:$0x2] =	stream.linear.gather @!p1 [hbm4b:s13+s14], $0x1A0, $0x38;
	[tilespmem:$0x1A340] =	vst v63  }
0x1a: {  	p1 =	sgt.u32 s31, $0x1F  }
.Ltmp2:
0x1b: {  	_ = 	snop;
	(pc) =	sbr.rel @p1 .LBB2_7-.Ltmp2, $1  }
0x1c: {  	_ =	sdelay $0x3  }
0x1d: {  	s12 =	simm.s32 $0x1  }
0x1e: {  	s12 =	simm.s32 @!p0 $0x0  }
0x1f: {  	s13 =	smul.u32 $0x680, s12  }
0x20: {  	_ =	swait.ge [sflag:s5], $0x1A0  }
0x21: {  	[sflag:s5] =	ssyncset.done $0x0;
	s14 =	sshrl.u32 s13, $0x2  }
0x22: {  	[sflag:s5] =	ssyncadd.s32 $0xFFFFFE60;
	s13 =	sadd.s32 $0x0, s14  }
0x23: {  	v0 =	vld.msk [tilespmem:s13+$0x0 ss:$0x1], $0xffff;
	_ =	sdelay $0x4  }
0x24: {  	v1 =	vand.u32 $0x1F, v0;
	v2 =	vshll.u32 v0, $0x2  }
0x25: {  	vm2 =	veq.s32 v0, $0x80000000;
	v0 =	vmul.u32 $0xC35000, v1;
	v1 =	vand.u32 $0xFFFF80, v2  }
0x26: {  	v1 =	vsel vm2, $0xFFFFFF80, v1  }
0x27: {  	v0 =	vsel vm2, $0xFF3CB000, v0;
	v2 =	vand.u32 $0xFFFFFC00, v1  }
0x28: {  	v1 =	vand.u32 $0x380, v1;
	v0 =	vadd.s32 v0, v2  }
0x29: {  	v0 =	vor.u32 v1, v0  }
0x2a: {  	v0 =	vshrl.u32 v0, $0x3  }
0x2b: {  	s12 =	smul.u32 $0x34000, s12;
	_ =	sdelay $0x1  }
0x2c: {  	s12 =	sshrl.u32 s12, $0x2  }
0x2d: {  	s12 =	sor.u32 $0x340, s12  }
0x2e: {  	[tilespmem:s12], [sflag:$0x1] =	stream.indirect_vreg.gather [hbm:s6], $0x80, v0, vm0, $0x38;
	[tilespmem:$0x1A340] =	vst v63  }
0x2f: {  	s15 =	sadd.s32 $0x10, s14;
	s13 =	sadd.s32 $0x400, s12  }
0x30: {  	[tilespmem:s13], [sflag:$0x1] =	stream.indirect_vreg.gather [hbm:s6], $0x80, v0, vm1, $0x38;
	[tilespmem:$0x1A340] =	vst v63  }
0x31: {  	s16 =	simm.s32 $0x80;
	v0 =	vld.msk [tilespmem:s15+$0x0 ss:$0x1], $0xffff;
	s15 =	smov.u32 s12  }
.LBB2_3:
0x32: {  	p1 =	sne.s32 s16, $0x640;
	_ =	sdelay $0x4  }
0x33: {  	v1 =	vand.u32 $0x1F, v0;
	v2 =	vshll.u32 v0, $0x2  }
0x34: {  	vm2 =	veq.s32 v0, $0x80000000;
	v0 =	vmul.u32 $0xC35000, v1;
	v1 =	vand.u32 $0xFFFF80, v2  }
0x35: {  	v1 =	vsel vm2, $0xFFFFFF80, v1  }
0x36: {  	v0 =	vsel vm2, $0xFF3CB000, v0;
	v2 =	vand.u32 $0xFFFFFC00, v1  }
0x37: {  	v1 =	vand.u32 $0x380, v1;
	v0 =	vadd.s32 v0, v2  }
0x38: {  	v0 =	vor.u32 v1, v0  }
0x39: {  	v0 =	vshrl.u32 v0, $0x3;
	_ =	sdelay $0x3  }
.Ltmp3:
0x3a: {  	s17 =	sshra.s32 s16, $0x2;
	s15 =	sadd.s32 $0x800, s15;
	(pc) =	sbr.rel @p1 .LBB2_3-.Ltmp3, $4  }
0x3b: {  	[tilespmem:s15], [sflag:$0x1] =	stream.indirect_vreg.gather [hbm:s6], $0x80, v0, vm0, $0x38;
	[tilespmem:$0x1A340] =	vst v63  }
0x3c: {  	s17 =	sadd.s32 s17, s14;
	s18 =	sadd.s32 $0x400, s15  }
0x3d: {  	[tilespmem:s18], [sflag:$0x1] =	stream.indirect_vreg.gather [hbm:s6], $0x80, v0, vm1, $0x38;
	[tilespmem:$0x1A340] =	vst v63  }
0x3e: {  	s16 =	sadd.s32 $0x40, s16;
	v0 =	vld.msk [tilespmem:s17+$0x0 ss:$0x1], $0xffff  }
0x3f: {  	_ =	sdelay $0x3  }
0x40: {  	v1 =	vand.u32 $0x1F, v0;
	v2 =	vshll.u32 v0, $0x2  }
0x41: {  	vm2 =	veq.s32 v0, $0x80000000;
	v61 =	vmul.u32 $0xC35000, v1;
	v62 =	vand.u32 $0xFFFF80, v2  }
0x42: {  	v1 =	vsel vm2, $0xFFFFFF80, v62  }
0x43: {  	v0 =	vsel vm2, $0xFF3CB000, v61;
	v63 =	vand.u32 $0xFFFFFC00, v1  }
0x44: {  	v1 =	vand.u32 $0x380, v1;
	v0 =	vadd.s32 v0, v63  }
0x45: {  	v0 =	vor.u32 v1, v0  }
0x46: {  	v0 =	vshrl.u32 v0, $0x3;
	_ =	sdelay $0x3  }
0x47: {  	s14 =	sadd.s32 $0x800, s15  }
0x48: {  	[tilespmem:s14], [sflag:$0x1] =	stream.indirect_vreg.gather [hbm:s6], $0x80, v0, vm0, $0x38;
	[tilespmem:$0x1A340] =	vst v63  }
0x49: {  	s14 =	sadd.s32 $0x400, s14  }
0x4a: {  	[tilespmem:s14], [sflag:$0x1] =	stream.indirect_vreg.gather [hbm:s6], $0x80, v0, vm1, $0x38;
	[tilespmem:$0x1A340] =	vst v63  }
0x4b: {  	s11 =	sshll.u32 s11, $0x4;
	_ =	swait.ge [sflag:s3], $0xD000  }
0x4c: {  	s11 =	sadd.s32 s11, s7;
	[sflag:s3] =	ssyncset.done $0x0  }
0x4d: {  	s15 =	sadd.s32 $0x0, s11;
	s14 =	simm.s32 $0x80;
	[sflag:s3] =	ssyncadd.s32 $0xFFFF3000  }
.LBB2_5:
0x4e: {  	[hbm:s15] =	stream.linear.scatter [tilespmem:s12], [sflag:$0x3], $0x400, $0x38;
	[tilespmem:$0x1A340] =	vst v63  }
0x4f: {  	s15 =	smov.u32 s14;
	s12 =	smov.u32 s13;
	p1 =	sne.s32 s14, $0x1980  }
.Ltmp4:
0x50: {  	s14 =	sadd.s32 $0x80, s14;
	(pc) =	sbr.rel @p1 .LBB2_5-.Ltmp4, $2  }
0x51: {  	_ =	sdelay $0x2  }
0x52: {  	s13 =	sadd.s32 $0x400, s13;
	s15 =	sadd.s32 s15, s11  }
.Ltmp5:
0x53: {  	_ = 	snop;
	(pc) =	sbr.rel .LBB2_6-.Ltmp5, $1  }
0x54: {  	_ =	sdelay $0x3  }
.LBB2_8:
0x55: {  	_ =	sfence.sel $0x180000  }
0x56: {  	s2 =	simm.s32 $0x2;
	[bflag:$0x0] =	sbarrier.arrive $0xFFFF  }
0x57: {  	s30 =	simm.s32 $0x3;
	[sflag:s2] =	ssyncpa.u1 $0x1  }
0x58: {  	s31 =	simm.s32 $0x1;
	[sflag:s30] =	ssyncpa.u1 $0x1  }
0x59: {  	[sflag:s31] =	ssyncpa.u1 $0x1  }
0x5a: {  	p0 =	sne.s32 s1, $0x0;
	_ =	strace $0x90000047  }
0x5b: {  	s0 =	sadd.s32 @!p0 $0x100000, s0;
	[bflag:$0x2] =	sbarrier.arrive $0xFFFF  }
0x5c: {  	[sflag:s0] =	ssyncadd.tile.s32 @!p0 $0x1;
	_ =	shalt  }
.Lfunc_end2:
_tile_overlayer_lowered:
.L_overlay_start_2:
0x5d: {  	(tag) =	ssettag $0x2  }
0x5e: {  	s0 =	rddreg [dreg:$0x0];
	s2 =	stileid.u32  }
0x5f: {  	s1 =	rddreg [dreg:$0x1];
	p0 =	sne.s32 s2, $0x0  }
0x60: {  	s3 =	rddreg [dreg:$0x2];
	[bflag:$0x3] =	sbarrier.arrive $0xFFFF;
	s2 =	simm.s32 @!p0 $0x1C01  }
0x61: {  	[timem:s3], [sflag:s2] =	dma.local @!p0 [hbm:s0], s1  }
0x62: {  	s0 =	simm.s32 @!p0 $0x1  }
0x63: {  	_ =	swait.ge @!p0 [sflag:s0], s1  }
0x64: {  	s1 =	ssub.s32 @!p0 $0x0, s1;
	[sflag:s0] =	ssyncset.done @!p0 $0x0  }
0x65: {  	[sflag:s0] =	ssyncadd.s32 @!p0 s1  }
0x66: {  	[bflag:$0x3] =	sbarrier.arrive $0xFFFF  }
0x67: {  	_ =	shalt  }

</sc_bundles>
